<compile_context>
chip_gen: v7x
topology: tpu7x:2x2x1
jax: 0.10.2.dev20260603
libtpu: 0.0.44.dev20260713+nightly
codegen_flags: <defaults>
</compile_context>

<pallas_src>
import functools

import jax
import jax.numpy as jnp
from jax import lax
from jax.experimental import pallas as pl
from jax.experimental.pallas import tpu as pltpu
from jax.experimental.pallas import tpu_sc as plsc

B, T, D, H = 16, 2048, 128, 64
_NC = 2
_LANES = 16


def _sc_body(time_a, time_b, len_a, len_b, feat_a, feat_b,
             out_rows, out_g, ta_v, tb_v, la_v, lb_v, row_v, g_v):
    wid = lax.axis_index("s") * _NC + lax.axis_index("c")

    @pl.when(wid < B)
    def _():
        b = wid
        pltpu.sync_copy(time_a.at[b], ta_v)
        pltpu.sync_copy(time_b.at[b], tb_v)
        pltpu.sync_copy(len_a, la_v)
        pltpu.sync_copy(len_b, lb_v)
        lane = lax.iota(jnp.int32, _LANES)
        sel = lane == b
        la = jnp.max(jnp.where(sel, la_v[...], jnp.int32(0)))
        lb = jnp.max(jnp.where(sel, lb_v[...], jnp.int32(0)))
        neg = jnp.float32(-1.0)

        def make_step(tv, lim, off):
            def body(i, carry):
                vmax, vidx = carry
                v = tv[pl.ds(i * _LANES, _LANES)]
                posv = lane + i * _LANES
                mv = jnp.where(posv < lim, v, neg)
                take = mv >= vmax
                return (jnp.where(take, mv, vmax),
                        jnp.where(take, posv + off, vidx))
            return body

        init = (jnp.full((_LANES,), neg, jnp.float32),
                jnp.zeros((_LANES,), jnp.int32))
        carry = lax.fori_loop(0, T // _LANES, make_step(ta_v, la, 0), init)
        vmax, vidx = lax.fori_loop(0, T // _LANES, make_step(tb_v, lb, T), carry)

        m = jnp.max(vmax)
        cand = jnp.where(vmax == m, vidx, jnp.int32(-1))
        j = jnp.max(cand)
        flag = j >= T
        p = jnp.where(flag, j - T, j)

        @pl.when(flag)
        def _():
            pltpu.sync_copy(feat_b.at[b, p], row_v)

        @pl.when(jnp.logical_not(flag))
        def _():
            pltpu.sync_copy(feat_a.at[b, p], row_v)

        gval = jnp.where(flag, jnp.float32(1.0), jnp.float32(0.0))
        gvec = jnp.zeros((_LANES,), jnp.float32) + gval
        for k in range(128 // _LANES):
            g_v[pl.ds(k * _LANES, _LANES)] = gvec
        pltpu.sync_copy(row_v, out_rows.at[b])
        pltpu.sync_copy(g_v, out_g.at[b])


_sc_select = pl.kernel(
    _sc_body,
    out_type=(jax.ShapeDtypeStruct((B, D), jnp.float32),
              jax.ShapeDtypeStruct((B, 128), jnp.float32)),
    mesh=plsc.VectorSubcoreMesh(core_axis_name="c", subcore_axis_name="s"),
    compiler_params=pltpu.CompilerParams(needs_layout_passes=False),
    scratch_types=[
        pltpu.VMEM((T,), jnp.float32),
        pltpu.VMEM((T,), jnp.float32),
        pltpu.VMEM((B,), jnp.int32),
        pltpu.VMEM((B,), jnp.int32),
        pltpu.VMEM((D,), jnp.float32),
        pltpu.VMEM((128,), jnp.float32),
    ],
)


def _tc_body(rows_ref, g_ref, wa_ref, ba_ref, wb_ref, bb_ref, ws_ref, bs_ref,
             out_ref):
    f = rows_ref[...]
    g = g_ref[...][:, :H]
    ea = jnp.dot(f, wa_ref[...], preferred_element_type=jnp.float32) + ba_ref[...]
    eb = jnp.dot(f, wb_ref[...], preferred_element_type=jnp.float32) + bb_ref[...]
    h = ea + g * (eb - ea)
    out_ref[...] = (jnp.dot(h, ws_ref[...], preferred_element_type=jnp.float32)
                    + bs_ref[...])


_tc_encode = pl.pallas_call(
    _tc_body,
    out_shape=jax.ShapeDtypeStruct((B, H), jnp.float32),
)


def kernel(time_a, feat_a, len_a, time_b, feat_b, len_b,
           W_a, b_a, W_b, b_b, W_seq, b_seq):
    la = len_a.astype(jnp.int32)
    lb = len_b.astype(jnp.int32)
    rows, g = _sc_select(time_a, time_b, la, lb, feat_a, feat_b)
    return _tc_encode(rows, g, W_a, b_a.reshape(1, H), W_b, b_b.reshape(1, H),
                      W_seq, b_seq.reshape(1, H))

# --- scband reference (transcript-rebuilt; emitter-appended) ---
"""Pipeline reference for scband-multi-modal-sort-time-seq-encoder-container-24996709663411 (READ-ONLY COPY).

The authoritative reference and input builder live on the scoring server;
editing this copy changes nothing except your own understanding.
"""

import jax, jax.numpy as jnp
import numpy as np

B, T, D, H = 16, 2048, 128, 64

def setup_inputs(seed: int = 0) -> dict:
    key = jax.random.key(seed)
    ks = jax.random.split(key, 12)
    time_a = jax.random.uniform(ks[0], (B, T), dtype=jnp.float32) + 0.01
    feat_a = jax.random.normal(ks[1], (B, T, D), dtype=jnp.float32)
    len_a = jax.random.randint(ks[2], (B,), 1, T + 1).astype(jnp.int64)
    time_b = jax.random.uniform(ks[3], (B, T), dtype=jnp.float32) + 0.01
    feat_b = jax.random.normal(ks[4], (B, T, D), dtype=jnp.float32)
    len_b = jax.random.randint(ks[5], (B,), 1, T + 1).astype(jnp.int64)
    W_a = jax.random.normal(ks[6], (D, H), dtype=jnp.float32) * 0.05
    b_a = jnp.zeros((H,), dtype=jnp.float32)
    W_b = jax.random.normal(ks[7], (D, H), dtype=jnp.float32) * 0.05
    b_b = jnp.zeros((H,), dtype=jnp.float32)
    W_seq = jax.random.normal(ks[8], (H, H), dtype=jnp.float32) * 0.05
    b_seq = jnp.zeros((H,), dtype=jnp.float32)
    return {"time_a": time_a, "feat_a": feat_a, "len_a": len_a,
            "time_b": time_b, "feat_b": feat_b, "len_b": len_b,
            "W_a": W_a, "b_a": b_a, "W_b": W_b, "b_b": b_b,
            "W_seq": W_seq, "b_seq": b_seq}

def reference(time_a, feat_a, len_a, time_b, feat_b, len_b, W_a, b_a, W_b, b_b, W_seq, b_seq):
    pos = jnp.arange(T)
    # event_time payload: zeros at padded positions (PaddedBatch convention)
    ta = jnp.where(pos[None, :] < len_a[:, None], time_a, 0.0)
    tb = jnp.where(pos[None, :] < len_b[:, None], time_b, 0.0)
    # per-modality trx_encoders (linear projection to shared input_size)
    ea = feat_a @ W_a + b_a
    eb = feat_b @ W_b + b_b
    # merge_by_time: concat along time, padded time -> inf, argsort, gather
    batch = jnp.concatenate([ea, eb], axis=1)          # [B, 2T, H]
    bt = jnp.concatenate([ta, tb], axis=1)             # [B, 2T]
    bt = jnp.where(bt == 0.0, jnp.inf, bt)
    idx = jnp.argsort(bt, axis=1)                      # [B, 2T]
    batch = jnp.take_along_axis(batch, idx[:, :, None], axis=1)
    length = len_a + len_b
    # seq_encoder with is_reduce_sequence=True: project, take last valid step
    h = batch @ W_seq + b_seq                          # [B, 2T, H]
    out = h[jnp.arange(B), length - 1, :]              # [B, H]
    return out

if __name__ == "__main__":
    import jax
    _d = setup_inputs()
    print(jax.jit(kernel)(*tuple(_d.values())))

</pallas_src>

<mosaic_0001>
#map = affine_map<(d0, d1) -> (0, 0)>
#map1 = affine_map<(d0, d1) -> (0)>
#map2 = affine_map<(d0, d1) -> (0, 0, 0)>
module attributes {stable_mosaic.version = 14 : i64} {
  func.func @_sc_body(%arg0: i32, %arg1: i32, %arg2: memref<16x2048xf32, #tpu.memory_space<hbm>>, %arg3: memref<16x2048xf32, #tpu.memory_space<hbm>>, %arg4: memref<16xi32, #tpu.memory_space<hbm>>, %arg5: memref<16xi32, #tpu.memory_space<hbm>>, %arg6: memref<16x2048x128xf32, #tpu.memory_space<hbm>>, %arg7: memref<16x2048x128xf32, #tpu.memory_space<hbm>>, %arg8: memref<16x128xf32, #tpu.memory_space<hbm>>, %arg9: memref<16x128xf32, #tpu.memory_space<hbm>>, %arg10: memref<2048xf32, #tpu.memory_space<vmem>>, %arg11: memref<2048xf32, #tpu.memory_space<vmem>>, %arg12: memref<16xi32, #tpu.memory_space<vmem>>, %arg13: memref<16xi32, #tpu.memory_space<vmem>>, %arg14: memref<128xf32, #tpu.memory_space<vmem>>, %arg15: memref<128xf32, #tpu.memory_space<vmem>>) attributes {dimension_semantics = [#tpu.dimension_semantics<core_parallel>, #tpu.dimension_semantics<subcore_parallel>], iteration_bounds = array<i64: 2, 16>, scalar_prefetch = 0 : i64, scratch_operands = 6 : i64, tpu.core_type = #tpu.core_type<sc_vector_subcore>, window_params = [{transform_indices = #map}, {transform_indices = #map}, {transform_indices = #map1}, {transform_indices = #map1}, {transform_indices = #map2}, {transform_indices = #map2}, {transform_indices = #map}, {transform_indices = #map}]} {
    %mul3A = arith.constant 2 : i32
    %mul3A_0 = arith.muli %arg1, %mul3A : i32
    %add3A = arith.addi %mul3A_0, %arg0 : i32
    %lt3A = arith.constant 16 : i32
    %lt3A_1 = arith.cmpi slt, %add3A, %lt3A : i32
    %convert_element_type3A = arith.extui %lt3A_1 : i1 to i32
    %cond3A = arith.constant 0 : i32
    %cond3A_2 = arith.cmpi ne, %convert_element_type3A, %cond3A : i32
    scf.if %cond3A_2 {
      "tpu.region"() ({
        %run_scoped3A = tpu.sem_alloc : memref<!tpu.dma_semaphore, #tpu.memory_space<semaphore_mem>>
        %dma_start3A = arith.constant 0 : i32
        %dma_start3A_91 = tpu.memref_slice %arg2[%add3A, %dma_start3A] : memref<16x2048xf32, #tpu.memory_space<hbm>> -> memref<1x2048xf32, #tpu.memory_space<hbm>>
        %dma_start3A_92 = tpu.memref_squeeze %dma_start3A_91 : memref<1x2048xf32, #tpu.memory_space<hbm>> -> memref<2048xf32, #tpu.memory_space<hbm>>
        %dma_start3A_93 = arith.constant 0 : i32
        %dma_start3A_94 = tpu.memref_slice %arg2[%add3A, %dma_start3A_93] : memref<16x2048xf32, #tpu.memory_space<hbm>> -> memref<1x2048xf32, #tpu.memory_space<hbm>>
        %dma_start3A_95 = tpu.memref_squeeze %dma_start3A_94 : memref<1x2048xf32, #tpu.memory_space<hbm>> -> memref<2048xf32, #tpu.memory_space<hbm>>
        tpu.enqueue_dma source(%dma_start3A_95 : memref<2048xf32, #tpu.memory_space<hbm>>) target(%arg10 : memref<2048xf32, #tpu.memory_space<vmem>>) target_semaphore(%run_scoped3A : memref<!tpu.dma_semaphore, #tpu.memory_space<semaphore_mem>>)
        %dma_wait3A = arith.constant 0 : i32
        %dma_wait3A_96 = tpu.memref_slice %arg2[%add3A, %dma_wait3A] : memref<16x2048xf32, #tpu.memory_space<hbm>> -> memref<1x2048xf32, #tpu.memory_space<hbm>>
        %dma_wait3A_97 = tpu.memref_squeeze %dma_wait3A_96 : memref<1x2048xf32, #tpu.memory_space<hbm>> -> memref<2048xf32, #tpu.memory_space<hbm>>
        %dma_wait3A_98 = arith.constant 0 : i32
        %dma_wait3A_99 = tpu.memref_slice %arg2[%add3A, %dma_wait3A_98] : memref<16x2048xf32, #tpu.memory_space<hbm>> -> memref<1x2048xf32, #tpu.memory_space<hbm>>
        %dma_wait3A_100 = tpu.memref_squeeze %dma_wait3A_99 : memref<1x2048xf32, #tpu.memory_space<hbm>> -> memref<2048xf32, #tpu.memory_space<hbm>>
        tpu.wait_dma2 semaphore(%run_scoped3A : memref<!tpu.dma_semaphore, #tpu.memory_space<semaphore_mem>>) src(%dma_wait3A_100 : memref<2048xf32, #tpu.memory_space<hbm>>) dst(%arg10 : memref<2048xf32, #tpu.memory_space<vmem>>)
        tpu.yield
      }) : () -> ()
      "tpu.region"() ({
        %run_scoped3A = tpu.sem_alloc : memref<!tpu.dma_semaphore, #tpu.memory_space<semaphore_mem>>
        %dma_start3A = arith.constant 0 : i32
        %dma_start3A_91 = tpu.memref_slice %arg3[%add3A, %dma_start3A] : memref<16x2048xf32, #tpu.memory_space<hbm>> -> memref<1x2048xf32, #tpu.memory_space<hbm>>
        %dma_start3A_92 = tpu.memref_squeeze %dma_start3A_91 : memref<1x2048xf32, #tpu.memory_space<hbm>> -> memref<2048xf32, #tpu.memory_space<hbm>>
        %dma_start3A_93 = arith.constant 0 : i32
        %dma_start3A_94 = tpu.memref_slice %arg3[%add3A, %dma_start3A_93] : memref<16x2048xf32, #tpu.memory_space<hbm>> -> memref<1x2048xf32, #tpu.memory_space<hbm>>
        %dma_start3A_95 = tpu.memref_squeeze %dma_start3A_94 : memref<1x2048xf32, #tpu.memory_space<hbm>> -> memref<2048xf32, #tpu.memory_space<hbm>>
        tpu.enqueue_dma source(%dma_start3A_95 : memref<2048xf32, #tpu.memory_space<hbm>>) target(%arg11 : memref<2048xf32, #tpu.memory_space<vmem>>) target_semaphore(%run_scoped3A : memref<!tpu.dma_semaphore, #tpu.memory_space<semaphore_mem>>)
        %dma_wait3A = arith.constant 0 : i32
        %dma_wait3A_96 = tpu.memref_slice %arg3[%add3A, %dma_wait3A] : memref<16x2048xf32, #tpu.memory_space<hbm>> -> memref<1x2048xf32, #tpu.memory_space<hbm>>
        %dma_wait3A_97 = tpu.memref_squeeze %dma_wait3A_96 : memref<1x2048xf32, #tpu.memory_space<hbm>> -> memref<2048xf32, #tpu.memory_space<hbm>>
        %dma_wait3A_98 = arith.constant 0 : i32
        %dma_wait3A_99 = tpu.memref_slice %arg3[%add3A, %dma_wait3A_98] : memref<16x2048xf32, #tpu.memory_space<hbm>> -> memref<1x2048xf32, #tpu.memory_space<hbm>>
        %dma_wait3A_100 = tpu.memref_squeeze %dma_wait3A_99 : memref<1x2048xf32, #tpu.memory_space<hbm>> -> memref<2048xf32, #tpu.memory_space<hbm>>
        tpu.wait_dma2 semaphore(%run_scoped3A : memref<!tpu.dma_semaphore, #tpu.memory_space<semaphore_mem>>) src(%dma_wait3A_100 : memref<2048xf32, #tpu.memory_space<hbm>>) dst(%arg11 : memref<2048xf32, #tpu.memory_space<vmem>>)
        tpu.yield
      }) : () -> ()
      "tpu.region"() ({
        %run_scoped3A = tpu.sem_alloc : memref<!tpu.dma_semaphore, #tpu.memory_space<semaphore_mem>>
        tpu.enqueue_dma source(%arg4 : memref<16xi32, #tpu.memory_space<hbm>>) target(%arg12 : memref<16xi32, #tpu.memory_space<vmem>>) target_semaphore(%run_scoped3A : memref<!tpu.dma_semaphore, #tpu.memory_space<semaphore_mem>>)
        tpu.wait_dma2 semaphore(%run_scoped3A : memref<!tpu.dma_semaphore, #tpu.memory_space<semaphore_mem>>) src(%arg4 : memref<16xi32, #tpu.memory_space<hbm>>) dst(%arg12 : memref<16xi32, #tpu.memory_space<vmem>>)
        tpu.yield
      }) : () -> ()
      "tpu.region"() ({
        %run_scoped3A = tpu.sem_alloc : memref<!tpu.dma_semaphore, #tpu.memory_space<semaphore_mem>>
        tpu.enqueue_dma source(%arg5 : memref<16xi32, #tpu.memory_space<hbm>>) target(%arg13 : memref<16xi32, #tpu.memory_space<vmem>>) target_semaphore(%run_scoped3A : memref<!tpu.dma_semaphore, #tpu.memory_space<semaphore_mem>>)
        tpu.wait_dma2 semaphore(%run_scoped3A : memref<!tpu.dma_semaphore, #tpu.memory_space<semaphore_mem>>) src(%arg5 : memref<16xi32, #tpu.memory_space<hbm>>) dst(%arg13 : memref<16xi32, #tpu.memory_space<vmem>>)
        tpu.yield
      }) : () -> ()
      %iota3A = tpu.iota {dimensions = array<i32: 0>} : vector<16xi32>
      %eq3A = vector.broadcast %add3A : i32 to vector<16xi32>
      %eq3A_3 = arith.cmpi eq, %iota3A, %eq3A : vector<16xi32>
      %get3A = arith.constant 0 : index
      %get3A_4 = tpu.vector_load %arg12[%get3A] {strides = array<i32>} : memref<16xi32, #tpu.memory_space<vmem>>, vector<16xi32>,
      %jit3A = arith.constant 0 : i32
      %broadcast_in_dim3A = vector.broadcast %jit3A : i32 to vector<16xi32>
      %select_n3A = arith.select %eq3A_3, %get3A_4, %broadcast_in_dim3A : vector<16xi1>, vector<16xi32>
      %reduce_max3A = arith.constant true
      %reduce_max3A_5 = vector.broadcast %reduce_max3A : i1 to vector<16xi1>
      %reduce_max3A_6 = arith.constant -2147483648 : i32
      %reduce_max3A_7 = vector.broadcast %reduce_max3A_6 : i32 to vector<16xi32>
      %reduce_max3A_8 = arith.xori %select_n3A, %reduce_max3A_7 : vector<16xi32>
      %reduce_max3A_9 = tpu.scan <max>, %reduce_max3A_8 masked %reduce_max3A_5 : vector<16xi32>, vector<16xi1> -> vector<16xi32>
      %reduce_max3A_10 = arith.xori %reduce_max3A_9, %reduce_max3A_7 : vector<16xi32>
      %reduce_max3A_11 = vector.extract %reduce_max3A_10[15] : i32 from vector<16xi32>
      %get3A_12 = arith.constant 0 : index
      %get3A_13 = tpu.vector_load %arg13[%get3A_12] {strides = array<i32>} : memref<16xi32, #tpu.memory_space<vmem>>, vector<16xi32>,
      %jit3A_14 = arith.constant 0 : i32
      %broadcast_in_dim3A_15 = vector.broadcast %jit3A_14 : i32 to vector<16xi32>
      %select_n3A_16 = arith.select %eq3A_3, %get3A_13, %broadcast_in_dim3A_15 : vector<16xi1>, vector<16xi32>
      %reduce_max3A_17 = arith.constant true
      %reduce_max3A_18 = vector.broadcast %reduce_max3A_17 : i1 to vector<16xi1>
      %reduce_max3A_19 = arith.constant -2147483648 : i32
      %reduce_max3A_20 = vector.broadcast %reduce_max3A_19 : i32 to vector<16xi32>
      %reduce_max3A_21 = arith.xori %select_n3A_16, %reduce_max3A_20 : vector<16xi32>
      %reduce_max3A_22 = tpu.scan <max>, %reduce_max3A_21 masked %reduce_max3A_18 : vector<16xi32>, vector<16xi1> -> vector<16xi32>
      %reduce_max3A_23 = arith.xori %reduce_max3A_22, %reduce_max3A_20 : vector<16xi32>
      %reduce_max3A_24 = vector.extract %reduce_max3A_23[15] : i32 from vector<16xi32>
      %broadcast_in_dim3A_25 = arith.constant -1.000000e+00 : f32
      %broadcast_in_dim3A_26 = vector.broadcast %broadcast_in_dim3A_25 : f32 to vector<16xf32>
      %broadcast_in_dim3A_27 = arith.constant 0 : i32
      %broadcast_in_dim3A_28 = vector.broadcast %broadcast_in_dim3A_27 : i32 to vector<16xi32>
      %scan3A = arith.constant -1.000000e+00 : f32
      %scan3A_29 = arith.constant 0 : i32
      %scan3A_30 = arith.constant 128 : i32
      %scan3A_31 = arith.addi %scan3A_29, %scan3A_30 : i32
      %scan3A_32 = arith.constant 1 : i32
      %scan3A_33:2 = scf.for %scan3A_91 = %scan3A_29 to %scan3A_31 step %scan3A_32 iter_args(%scan3A_92 = %broadcast_in_dim3A_26, %scan3A_93 = %broadcast_in_dim3A_28) -> (vector<16xf32>, vector<16xi32>)  : i32 {
        %mul3A_94 = arith.constant 16 : i32
        %mul3A_95 = arith.muli %scan3A_91, %mul3A_94 : i32
        %get3A_96 = arith.index_cast %mul3A_95 : i32 to index
        %get3A_97 = tpu.vector_load %arg10[%get3A_96] {strides = array<i32>} : memref<2048xf32, #tpu.memory_space<vmem>>, vector<16xf32>,
        %mul3A_98 = arith.constant 16 : i32
        %mul3A_99 = arith.muli %scan3A_91, %mul3A_98 : i32
        %add3A_100 = vector.broadcast %mul3A_99 : i32 to vector<16xi32>
        %add3A_101 = arith.addi %iota3A, %add3A_100 : vector<16xi32>
        %lt3A_102 = vector.broadcast %reduce_max3A_11 : i32 to vector<16xi32>
        %lt3A_103 = arith.cmpi slt, %add3A_101, %lt3A_102 : vector<16xi32>
        %broadcast_in_dim3A_104 = vector.broadcast %scan3A : f32 to vector<16xf32>
        %select_n3A_105 = arith.select %lt3A_103, %get3A_97, %broadcast_in_dim3A_104 : vector<16xi1>, vector<16xf32>
        %ge3A_106 = arith.cmpf oge, %select_n3A_105, %scan3A_92 : vector<16xf32>
        %select_n3A_107 = arith.select %ge3A_106, %select_n3A_105, %scan3A_92 : vector<16xi1>, vector<16xf32>
        %add3A_108 = arith.constant 0 : i32
        %add3A_109 = vector.broadcast %add3A_108 : i32 to vector<16xi32>
        %add3A_110 = arith.addi %add3A_101, %add3A_109 : vector<16xi32>
        %select_n3A_111 = arith.select %ge3A_106, %add3A_110, %scan3A_93 : vector<16xi1>, vector<16xi32>
        scf.yield %select_n3A_107, %select_n3A_111 : vector<16xf32>, vector<16xi32>
      }
      %scan3A_34 = arith.constant 128 : i32
      %scan3A_35 = arith.constant -1.000000e+00 : f32
      %scan3A_36 = arith.constant 0 : i32
      %scan3A_37 = arith.constant 128 : i32
      %scan3A_38 = arith.addi %scan3A_36, %scan3A_37 : i32
      %scan3A_39 = arith.constant 1 : i32
      %scan3A_40:2 = scf.for %scan3A_91 = %scan3A_36 to %scan3A_38 step %scan3A_39 iter_args(%scan3A_92 = %scan3A_33#0, %scan3A_93 = %scan3A_33#1) -> (vector<16xf32>, vector<16xi32>)  : i32 {
        %mul3A_94 = arith.constant 16 : i32
        %mul3A_95 = arith.muli %scan3A_91, %mul3A_94 : i32
        %get3A_96 = arith.index_cast %mul3A_95 : i32 to index
        %get3A_97 = tpu.vector_load %arg11[%get3A_96] {strides = array<i32>} : memref<2048xf32, #tpu.memory_space<vmem>>, vector<16xf32>,
        %mul3A_98 = arith.constant 16 : i32
        %mul3A_99 = arith.muli %scan3A_91, %mul3A_98 : i32
        %add3A_100 = vector.broadcast %mul3A_99 : i32 to vector<16xi32>
        %add3A_101 = arith.addi %iota3A, %add3A_100 : vector<16xi32>
        %lt3A_102 = vector.broadcast %reduce_max3A_24 : i32 to vector<16xi32>
        %lt3A_103 = arith.cmpi slt, %add3A_101, %lt3A_102 : vector<16xi32>
        %broadcast_in_dim3A_104 = vector.broadcast %scan3A_35 : f32 to vector<16xf32>
        %select_n3A_105 = arith.select %lt3A_103, %get3A_97, %broadcast_in_dim3A_104 : vector<16xi1>, vector<16xf32>
        %ge3A_106 = arith.cmpf oge, %select_n3A_105, %scan3A_92 : vector<16xf32>
        %select_n3A_107 = arith.select %ge3A_106, %select_n3A_105, %scan3A_92 : vector<16xi1>, vector<16xf32>
        %add3A_108 = arith.constant 2048 : i32
        %add3A_109 = vector.broadcast %add3A_108 : i32 to vector<16xi32>
        %add3A_110 = arith.addi %add3A_101, %add3A_109 : vector<16xi32>
        %select_n3A_111 = arith.select %ge3A_106, %add3A_110, %scan3A_93 : vector<16xi1>, vector<16xi32>
        scf.yield %select_n3A_107, %select_n3A_111 : vector<16xf32>, vector<16xi32>
      }
      %scan3A_41 = arith.constant 128 : i32
      %reduce_max3A_42 = arith.constant true
      %reduce_max3A_43 = vector.broadcast %reduce_max3A_42 : i1 to vector<16xi1>
      %reduce_max3A_44 = tpu.scan <max>, %scan3A_40#0 masked %reduce_max3A_43 : vector<16xf32>, vector<16xi1> -> vector<16xf32>
      %reduce_max3A_45 = vector.extract %reduce_max3A_44[15] : f32 from vector<16xf32>
      %eq3A_46 = vector.broadcast %reduce_max3A_45 : f32 to vector<16xf32>
      %eq3A_47 = arith.cmpf oeq, %scan3A_40#0, %eq3A_46 : vector<16xf32>
      %jit3A_48 = arith.constant -1 : i32
      %broadcast_in_dim3A_49 = vector.broadcast %jit3A_48 : i32 to vector<16xi32>
      %select_n3A_50 = arith.select %eq3A_47, %scan3A_40#1, %broadcast_in_dim3A_49 : vector<16xi1>, vector<16xi32>
      %reduce_max3A_51 = arith.constant true
      %reduce_max3A_52 = vector.broadcast %reduce_max3A_51 : i1 to vector<16xi1>
      %reduce_max3A_53 = arith.constant -2147483648 : i32
      %reduce_max3A_54 = vector.broadcast %reduce_max3A_53 : i32 to vector<16xi32>
      %reduce_max3A_55 = arith.xori %select_n3A_50, %reduce_max3A_54 : vector<16xi32>
      %reduce_max3A_56 = tpu.scan <max>, %reduce_max3A_55 masked %reduce_max3A_52 : vector<16xi32>, vector<16xi1> -> vector<16xi32>
      %reduce_max3A_57 = arith.xori %reduce_max3A_56, %reduce_max3A_54 : vector<16xi32>
      %reduce_max3A_58 = vector.extract %reduce_max3A_57[15] : i32 from vector<16xi32>
      %ge3A = arith.constant 2048 : i32
      %ge3A_59 = arith.cmpi sge, %reduce_max3A_58, %ge3A : i32
      %sub3A = arith.constant 2048 : i32
      %sub3A_60 = arith.subi %reduce_max3A_58, %sub3A : i32
      %select_n3A_61 = arith.select %ge3A_59, %sub3A_60, %reduce_max3A_58 : i32
      %convert_element_type3A_62 = arith.extui %ge3A_59 : i1 to i32
      %cond3A_63 = arith.constant 0 : i32
      %cond3A_64 = arith.cmpi ne, %convert_element_type3A_62, %cond3A_63 : i32
      scf.if %cond3A_64 {
        "tpu.region"() ({
          %run_scoped3A = tpu.sem_alloc : memref<!tpu.dma_semaphore, #tpu.memory_space<semaphore_mem>>
          %dma_start3A = arith.constant 0 : i32
          %dma_start3A_91 = tpu.memref_slice %arg7[%add3A, %select_n3A_61, %dma_start3A] : memref<16x2048x128xf32, #tpu.memory_space<hbm>> -> memref<1x1x128xf32, #tpu.memory_space<hbm>>
          %dma_start3A_92 = tpu.memref_squeeze %dma_start3A_91 : memref<1x1x128xf32, #tpu.memory_space<hbm>> -> memref<128xf32, #tpu.memory_space<hbm>>
          %dma_start3A_93 = arith.constant 0 : i32
          %dma_start3A_94 = tpu.memref_slice %arg7[%add3A, %select_n3A_61, %dma_start3A_93] : memref<16x2048x128xf32, #tpu.memory_space<hbm>> -> memref<1x1x128xf32, #tpu.memory_space<hbm>>
          %dma_start3A_95 = tpu.memref_squeeze %dma_start3A_94 : memref<1x1x128xf32, #tpu.memory_space<hbm>> -> memref<128xf32, #tpu.memory_space<hbm>>
          tpu.enqueue_dma source(%dma_start3A_95 : memref<128xf32, #tpu.memory_space<hbm>>) target(%arg14 : memref<128xf32, #tpu.memory_space<vmem>>) target_semaphore(%run_scoped3A : memref<!tpu.dma_semaphore, #tpu.memory_space<semaphore_mem>>)
          %dma_wait3A = arith.constant 0 : i32
          %dma_wait3A_96 = tpu.memref_slice %arg7[%add3A, %select_n3A_61, %dma_wait3A] : memref<16x2048x128xf32, #tpu.memory_space<hbm>> -> memref<1x1x128xf32, #tpu.memory_space<hbm>>
          %dma_wait3A_97 = tpu.memref_squeeze %dma_wait3A_96 : memref<1x1x128xf32, #tpu.memory_space<hbm>> -> memref<128xf32, #tpu.memory_space<hbm>>
          %dma_wait3A_98 = arith.constant 0 : i32
          %dma_wait3A_99 = tpu.memref_slice %arg7[%add3A, %select_n3A_61, %dma_wait3A_98] : memref<16x2048x128xf32, #tpu.memory_space<hbm>> -> memref<1x1x128xf32, #tpu.memory_space<hbm>>
          %dma_wait3A_100 = tpu.memref_squeeze %dma_wait3A_99 : memref<1x1x128xf32, #tpu.memory_space<hbm>> -> memref<128xf32, #tpu.memory_space<hbm>>
          tpu.wait_dma2 semaphore(%run_scoped3A : memref<!tpu.dma_semaphore, #tpu.memory_space<semaphore_mem>>) src(%dma_wait3A_100 : memref<128xf32, #tpu.memory_space<hbm>>) dst(%arg14 : memref<128xf32, #tpu.memory_space<vmem>>)
          tpu.yield
        }) : () -> ()
      } else {
      }
      %not3A = arith.constant true
      %not3A_65 = arith.xori %ge3A_59, %not3A : i1
      %convert_element_type3A_66 = arith.extui %not3A_65 : i1 to i32
      %cond3A_67 = arith.constant 0 : i32
      %cond3A_68 = arith.cmpi ne, %convert_element_type3A_66, %cond3A_67 : i32
      scf.if %cond3A_68 {
        "tpu.region"() ({
          %run_scoped3A = tpu.sem_alloc : memref<!tpu.dma_semaphore, #tpu.memory_space<semaphore_mem>>
          %dma_start3A = arith.constant 0 : i32
          %dma_start3A_91 = tpu.memref_slice %arg6[%add3A, %select_n3A_61, %dma_start3A] : memref<16x2048x128xf32, #tpu.memory_space<hbm>> -> memref<1x1x128xf32, #tpu.memory_space<hbm>>
          %dma_start3A_92 = tpu.memref_squeeze %dma_start3A_91 : memref<1x1x128xf32, #tpu.memory_space<hbm>> -> memref<128xf32, #tpu.memory_space<hbm>>
          %dma_start3A_93 = arith.constant 0 : i32
          %dma_start3A_94 = tpu.memref_slice %arg6[%add3A, %select_n3A_61, %dma_start3A_93] : memref<16x2048x128xf32, #tpu.memory_space<hbm>> -> memref<1x1x128xf32, #tpu.memory_space<hbm>>
          %dma_start3A_95 = tpu.memref_squeeze %dma_start3A_94 : memref<1x1x128xf32, #tpu.memory_space<hbm>> -> memref<128xf32, #tpu.memory_space<hbm>>
          tpu.enqueue_dma source(%dma_start3A_95 : memref<128xf32, #tpu.memory_space<hbm>>) target(%arg14 : memref<128xf32, #tpu.memory_space<vmem>>) target_semaphore(%run_scoped3A : memref<!tpu.dma_semaphore, #tpu.memory_space<semaphore_mem>>)
          %dma_wait3A = arith.constant 0 : i32
          %dma_wait3A_96 = tpu.memref_slice %arg6[%add3A, %select_n3A_61, %dma_wait3A] : memref<16x2048x128xf32, #tpu.memory_space<hbm>> -> memref<1x1x128xf32, #tpu.memory_space<hbm>>
          %dma_wait3A_97 = tpu.memref_squeeze %dma_wait3A_96 : memref<1x1x128xf32, #tpu.memory_space<hbm>> -> memref<128xf32, #tpu.memory_space<hbm>>
          %dma_wait3A_98 = arith.constant 0 : i32
          %dma_wait3A_99 = tpu.memref_slice %arg6[%add3A, %select_n3A_61, %dma_wait3A_98] : memref<16x2048x128xf32, #tpu.memory_space<hbm>> -> memref<1x1x128xf32, #tpu.memory_space<hbm>>
          %dma_wait3A_100 = tpu.memref_squeeze %dma_wait3A_99 : memref<1x1x128xf32, #tpu.memory_space<hbm>> -> memref<128xf32, #tpu.memory_space<hbm>>
          tpu.wait_dma2 semaphore(%run_scoped3A : memref<!tpu.dma_semaphore, #tpu.memory_space<semaphore_mem>>) src(%dma_wait3A_100 : memref<128xf32, #tpu.memory_space<hbm>>) dst(%arg14 : memref<128xf32, #tpu.memory_space<vmem>>)
          tpu.yield
        }) : () -> ()
      } else {
      }
      %jit3A_69 = arith.constant 1.000000e+00 : f32
      %jit3A_70 = arith.constant 0.000000e+00 : f32
      %select_n3A_71 = arith.select %ge3A_59, %jit3A_69, %jit3A_70 : f32
      %broadcast_in_dim3A_72 = arith.constant 0.000000e+00 : f32
      %broadcast_in_dim3A_73 = vector.broadcast %broadcast_in_dim3A_72 : f32 to vector<16xf32>
      %add3A_74 = vector.broadcast %select_n3A_71 : f32 to vector<16xf32>
      %add3A_75 = arith.addf %broadcast_in_dim3A_73, %add3A_74 : vector<16xf32>
      %swap3A = arith.constant 0 : index
      %swap3A_76 = tpu.vector_load %arg15[%swap3A] {strides = array<i32>} : memref<128xf32, #tpu.memory_space<vmem>>, vector<16xf32>,
      tpu.vector_store %arg15[%swap3A], %add3A_75 {strides = array<i32>} : memref<128xf32, #tpu.memory_space<vmem>>, vector<16xf32>,
      %swap3A_77 = arith.constant 16 : index
      %swap3A_78 = tpu.vector_load %arg15[%swap3A_77] {strides = array<i32>} : memref<128xf32, #tpu.memory_space<vmem>>, vector<16xf32>,
      tpu.vector_store %arg15[%swap3A_77], %add3A_75 {strides = array<i32>} : memref<128xf32, #tpu.memory_space<vmem>>, vector<16xf32>,
      %swap3A_79 = arith.constant 32 : index
      %swap3A_80 = tpu.vector_load %arg15[%swap3A_79] {strides = array<i32>} : memref<128xf32, #tpu.memory_space<vmem>>, vector<16xf32>,
      tpu.vector_store %arg15[%swap3A_79], %add3A_75 {strides = array<i32>} : memref<128xf32, #tpu.memory_space<vmem>>, vector<16xf32>,
      %swap3A_81 = arith.constant 48 : index
      %swap3A_82 = tpu.vector_load %arg15[%swap3A_81] {strides = array<i32>} : memref<128xf32, #tpu.memory_space<vmem>>, vector<16xf32>,
      tpu.vector_store %arg15[%swap3A_81], %add3A_75 {strides = array<i32>} : memref<128xf32, #tpu.memory_space<vmem>>, vector<16xf32>,
      %swap3A_83 = arith.constant 64 : index
      %swap3A_84 = tpu.vector_load %arg15[%swap3A_83] {strides = array<i32>} : memref<128xf32, #tpu.memory_space<vmem>>, vector<16xf32>,
      tpu.vector_store %arg15[%swap3A_83], %add3A_75 {strides = array<i32>} : memref<128xf32, #tpu.memory_space<vmem>>, vector<16xf32>,
      %swap3A_85 = arith.constant 80 : index
      %swap3A_86 = tpu.vector_load %arg15[%swap3A_85] {strides = array<i32>} : memref<128xf32, #tpu.memory_space<vmem>>, vector<16xf32>,
      tpu.vector_store %arg15[%swap3A_85], %add3A_75 {strides = array<i32>} : memref<128xf32, #tpu.memory_space<vmem>>, vector<16xf32>,
      %swap3A_87 = arith.constant 96 : index
      %swap3A_88 = tpu.vector_load %arg15[%swap3A_87] {strides = array<i32>} : memref<128xf32, #tpu.memory_space<vmem>>, vector<16xf32>,
      tpu.vector_store %arg15[%swap3A_87], %add3A_75 {strides = array<i32>} : memref<128xf32, #tpu.memory_space<vmem>>, vector<16xf32>,
      %swap3A_89 = arith.constant 112 : index
      %swap3A_90 = tpu.vector_load %arg15[%swap3A_89] {strides = array<i32>} : memref<128xf32, #tpu.memory_space<vmem>>, vector<16xf32>,
      tpu.vector_store %arg15[%swap3A_89], %add3A_75 {strides = array<i32>} : memref<128xf32, #tpu.memory_space<vmem>>, vector<16xf32>,
      "tpu.region"() ({
        %run_scoped3A = tpu.sem_alloc : memref<!tpu.dma_semaphore, #tpu.memory_space<semaphore_mem>>
        %dma_start3A = arith.constant 0 : i32
        %dma_start3A_91 = tpu.memref_slice %arg8[%add3A, %dma_start3A] : memref<16x128xf32, #tpu.memory_space<hbm>> -> memref<1x128xf32, #tpu.memory_space<hbm>>
        %dma_start3A_92 = tpu.memref_squeeze %dma_start3A_91 : memref<1x128xf32, #tpu.memory_space<hbm>> -> memref<128xf32, #tpu.memory_space<hbm>>
        %dma_start3A_93 = arith.constant 0 : i32
        %dma_start3A_94 = tpu.memref_slice %arg8[%add3A, %dma_start3A_93] : memref<16x128xf32, #tpu.memory_space<hbm>> -> memref<1x128xf32, #tpu.memory_space<hbm>>
        %dma_start3A_95 = tpu.memref_squeeze %dma_start3A_94 : memref<1x128xf32, #tpu.memory_space<hbm>> -> memref<128xf32, #tpu.memory_space<hbm>>
        tpu.enqueue_dma source(%arg14 : memref<128xf32, #tpu.memory_space<vmem>>) target(%dma_start3A_95 : memref<128xf32, #tpu.memory_space<hbm>>) target_semaphore(%run_scoped3A : memref<!tpu.dma_semaphore, #tpu.memory_space<semaphore_mem>>)
        %dma_wait3A = arith.constant 0 : i32
        %dma_wait3A_96 = tpu.memref_slice %arg8[%add3A, %dma_wait3A] : memref<16x128xf32, #tpu.memory_space<hbm>> -> memref<1x128xf32, #tpu.memory_space<hbm>>
        %dma_wait3A_97 = tpu.memref_squeeze %dma_wait3A_96 : memref<1x128xf32, #tpu.memory_space<hbm>> -> memref<128xf32, #tpu.memory_space<hbm>>
        %dma_wait3A_98 = arith.constant 0 : i32
        %dma_wait3A_99 = tpu.memref_slice %arg8[%add3A, %dma_wait3A_98] : memref<16x128xf32, #tpu.memory_space<hbm>> -> memref<1x128xf32, #tpu.memory_space<hbm>>
        %dma_wait3A_100 = tpu.memref_squeeze %dma_wait3A_99 : memref<1x128xf32, #tpu.memory_space<hbm>> -> memref<128xf32, #tpu.memory_space<hbm>>
        tpu.wait_dma2 semaphore(%run_scoped3A : memref<!tpu.dma_semaphore, #tpu.memory_space<semaphore_mem>>) src(%arg14 : memref<128xf32, #tpu.memory_space<vmem>>) dst(%dma_wait3A_100 : memref<128xf32, #tpu.memory_space<hbm>>)
        tpu.yield
      }) : () -> ()
      "tpu.region"() ({
        %run_scoped3A = tpu.sem_alloc : memref<!tpu.dma_semaphore, #tpu.memory_space<semaphore_mem>>
        %dma_start3A = arith.constant 0 : i32
        %dma_start3A_91 = tpu.memref_slice %arg9[%add3A, %dma_start3A] : memref<16x128xf32, #tpu.memory_space<hbm>> -> memref<1x128xf32, #tpu.memory_space<hbm>>
        %dma_start3A_92 = tpu.memref_squeeze %dma_start3A_91 : memref<1x128xf32, #tpu.memory_space<hbm>> -> memref<128xf32, #tpu.memory_space<hbm>>
        %dma_start3A_93 = arith.constant 0 : i32
        %dma_start3A_94 = tpu.memref_slice %arg9[%add3A, %dma_start3A_93] : memref<16x128xf32, #tpu.memory_space<hbm>> -> memref<1x128xf32, #tpu.memory_space<hbm>>
        %dma_start3A_95 = tpu.memref_squeeze %dma_start3A_94 : memref<1x128xf32, #tpu.memory_space<hbm>> -> memref<128xf32, #tpu.memory_space<hbm>>
        tpu.enqueue_dma source(%arg15 : memref<128xf32, #tpu.memory_space<vmem>>) target(%dma_start3A_95 : memref<128xf32, #tpu.memory_space<hbm>>) target_semaphore(%run_scoped3A : memref<!tpu.dma_semaphore, #tpu.memory_space<semaphore_mem>>)
        %dma_wait3A = arith.constant 0 : i32
        %dma_wait3A_96 = tpu.memref_slice %arg9[%add3A, %dma_wait3A] : memref<16x128xf32, #tpu.memory_space<hbm>> -> memref<1x128xf32, #tpu.memory_space<hbm>>
        %dma_wait3A_97 = tpu.memref_squeeze %dma_wait3A_96 : memref<1x128xf32, #tpu.memory_space<hbm>> -> memref<128xf32, #tpu.memory_space<hbm>>
        %dma_wait3A_98 = arith.constant 0 : i32
        %dma_wait3A_99 = tpu.memref_slice %arg9[%add3A, %dma_wait3A_98] : memref<16x128xf32, #tpu.memory_space<hbm>> -> memref<1x128xf32, #tpu.memory_space<hbm>>
        %dma_wait3A_100 = tpu.memref_squeeze %dma_wait3A_99 : memref<1x128xf32, #tpu.memory_space<hbm>> -> memref<128xf32, #tpu.memory_space<hbm>>
        tpu.wait_dma2 semaphore(%run_scoped3A : memref<!tpu.dma_semaphore, #tpu.memory_space<semaphore_mem>>) src(%arg15 : memref<128xf32, #tpu.memory_space<vmem>>) dst(%dma_wait3A_100 : memref<128xf32, #tpu.memory_space<hbm>>)
        tpu.yield
      }) : () -> ()
    } else {
    }
    return
  }
}

module attributes {stable_mosaic.version = 14 : i64} {
  func.func @_tc_body(%arg0: memref<16x128xf32, #tpu.memory_space<vmem>>, %arg1: memref<16x128xf32, #tpu.memory_space<vmem>>, %arg2: memref<128x64xf32, #tpu.memory_space<vmem>>, %arg3: memref<1x64xf32, #tpu.memory_space<vmem>>, %arg4: memref<128x64xf32, #tpu.memory_space<vmem>>, %arg5: memref<1x64xf32, #tpu.memory_space<vmem>>, %arg6: memref<64x64xf32, #tpu.memory_space<vmem>>, %arg7: memref<1x64xf32, #tpu.memory_space<vmem>>, %arg8: memref<16x64xf32, #tpu.memory_space<vmem>>) attributes {dimension_semantics = [], scalar_prefetch = 0 : i64, scratch_operands = 0 : i64, tpu.core_type = #tpu.core_type<tc>} {
    %get3A = arith.constant 0 : index
    %get3A_0 = arith.constant 0 : index
    %get3A_1 = vector.load %arg0[%get3A, %get3A_0] : memref<16x128xf32, #tpu.memory_space<vmem>>, vector<16x128xf32>
    %get3A_2 = arith.constant 0 : index
    %get3A_3 = arith.constant 0 : index
    %get3A_4 = vector.load %arg1[%get3A_2, %get3A_3] : memref<16x128xf32, #tpu.memory_space<vmem>>, vector<16x128xf32>
    %slice3A = vector.extract_strided_slice %get3A_4 {offsets = [0, 0], sizes = [16, 64], strides = [1, 1]} : vector<16x128xf32> to vector<16x64xf32>
    %get3A_5 = arith.constant 0 : index
    %get3A_6 = arith.constant 0 : index
    %get3A_7 = vector.load %arg2[%get3A_5, %get3A_6] : memref<128x64xf32, #tpu.memory_space<vmem>>, vector<128x64xf32>
    %dot_general3A = arith.constant dense<0.000000e+00> : vector<16x64xf32>
    %dot_general3A_8 = tpu.matmul %get3A_1, %get3A_7, %dot_general3A {dimension_numbers = #tpu.dot_dimension_numbers<[1], [0], [0], [1], [0, 0, 1, 1], [], []>, transpose_lhs_hint = false} : vector<16x128xf32>, vector<128x64xf32>, vector<16x64xf32> -> vector<16x64xf32>
    %get3A_9 = arith.constant 0 : index
    %get3A_10 = arith.constant 0 : index
    %get3A_11 = vector.load %arg3[%get3A_9, %get3A_10] : memref<1x64xf32, #tpu.memory_space<vmem>>, vector<1x64xf32>
    %add3A = vector.broadcast %get3A_11 : vector<1x64xf32> to vector<16x64xf32>
    %add3A_12 = arith.addf %dot_general3A_8, %add3A : vector<16x64xf32>
    %get3A_13 = arith.constant 0 : index
    %get3A_14 = arith.constant 0 : index
    %get3A_15 = vector.load %arg4[%get3A_13, %get3A_14] : memref<128x64xf32, #tpu.memory_space<vmem>>, vector<128x64xf32>
    %dot_general3A_16 = arith.constant dense<0.000000e+00> : vector<16x64xf32>
    %dot_general3A_17 = tpu.matmul %get3A_1, %get3A_15, %dot_general3A_16 {dimension_numbers = #tpu.dot_dimension_numbers<[1], [0], [0], [1], [0, 0, 1, 1], [], []>, transpose_lhs_hint = false} : vector<16x128xf32>, vector<128x64xf32>, vector<16x64xf32> -> vector<16x64xf32>
    %get3A_18 = arith.constant 0 : index
    %get3A_19 = arith.constant 0 : index
    %get3A_20 = vector.load %arg5[%get3A_18, %get3A_19] : memref<1x64xf32, #tpu.memory_space<vmem>>, vector<1x64xf32>
    %add3A_21 = vector.broadcast %get3A_20 : vector<1x64xf32> to vector<16x64xf32>
    %add3A_22 = arith.addf %dot_general3A_17, %add3A_21 : vector<16x64xf32>
    %sub3A = arith.subf %add3A_22, %add3A_12 : vector<16x64xf32>
    %mul3A = arith.mulf %slice3A, %sub3A : vector<16x64xf32>
    %add3A_23 = arith.addf %add3A_12, %mul3A : vector<16x64xf32>
    %get3A_24 = arith.constant 0 : index
    %get3A_25 = arith.constant 0 : index
    %get3A_26 = vector.load %arg6[%get3A_24, %get3A_25] : memref<64x64xf32, #tpu.memory_space<vmem>>, vector<64x64xf32>
    %dot_general3A_27 = arith.constant dense<0.000000e+00> : vector<16x64xf32>
    %dot_general3A_28 = tpu.matmul %add3A_23, %get3A_26, %dot_general3A_27 {dimension_numbers = #tpu.dot_dimension_numbers<[1], [0], [0], [1], [0, 0, 1, 1], [], []>, transpose_lhs_hint = false} : vector<16x64xf32>, vector<64x64xf32>, vector<16x64xf32> -> vector<16x64xf32>
    %get3A_29 = arith.constant 0 : index
    %get3A_30 = arith.constant 0 : index
    %get3A_31 = vector.load %arg7[%get3A_29, %get3A_30] : memref<1x64xf32, #tpu.memory_space<vmem>>, vector<1x64xf32>
    %add3A_32 = vector.broadcast %get3A_31 : vector<1x64xf32> to vector<16x64xf32>
    %add3A_33 = arith.addf %dot_general3A_28, %add3A_32 : vector<16x64xf32>
    %swap3A = arith.constant 0 : index
    %swap3A_34 = arith.constant 0 : index
    %swap3A_35 = vector.load %arg8[%swap3A, %swap3A_34] : memref<16x64xf32, #tpu.memory_space<vmem>>, vector<16x64xf32>
    tpu.vector_store %arg8[%swap3A, %swap3A_34], %add3A_33 {strides = array<i32>} : memref<16x64xf32, #tpu.memory_space<vmem>>, vector<16x64xf32>,
    return
  }
}

</mosaic_0001>

<sc_bundles>
// kernel: kernel.4.cloned.1.call-start
scs
__scs_entry_jumppad:
0x0: {  	(pc) =	sbr.rel $0x88, $3  }
0x1: {  	(tag) =	ssettag $0x0;
	lr =	simm.s32 $0x1  }
0x2: {  	[smem:$0x3F95] =	sst lr;
	_ =	strace $0xD0000000  }
0x3: {  	_ = 	snop  }
0x4: {  	_ = 	snop  }
0x5: {  	_ = 	snop  }
0x6: {  	_ = 	snop  }
0x7: {  	_ = 	snop  }
__scs_overlays_trampoline_lowered:
0x8: {  	[smem:$0x3FA4] =	sst s0  }
0x9: {  	[smem:$0x3FA5] =	sst s1  }
0xa: {  	[smem:$0x3FA6] =	sst s2  }
0xb: {  	[smem:$0x3FA7] =	sst s3  }
0xc: {  	[smem:$0x3FA8] =	sst s4  }
0xd: {  	[smem:$0x3FA9] =	sst s5  }
0xe: {  	[smem:$0x3FAA] =	sst s6  }
0xf: {  	[smem:$0x3FAB] =	sst s7  }
0x10: {  	[smem:$0x3FAC] =	sst s8  }
0x11: {  	[smem:$0x3FAD] =	sst s9;
	s0 =	simm.s32 @!p0 $0x0  }
0x12: {  	s1 =	sld [smem:$0x3F93];
	s0 =	simm.s32 @p0 $0x1  }
0x13: {  	[smem:$0x3FAE] =	sst s0;
	s0 =	simm.s32 @!p1 $0x0  }
0x14: {  	s2 =	sld [smem:$0x3F92];
	s0 =	simm.s32 @p1 $0x1  }
0x15: {  	[smem:$0x3FAF] =	sst s0;
	s0 =	simm.s32 @!p2 $0x0  }
0x16: {  	s3 =	sld [smem:$0x3FDB];
	s0 =	simm.s32 @p2 $0x1  }
0x17: {  	s4 =	simm.s32 $0x1BF5;
	[smem:$0x3FB1] =	sst s0  }
0x18: {  	s0 =	sld [smem:$0x3F94];
	_ =	swait.ge [sflag:s4], $0x0  }
0x19: {  	s7 =	sld [smem:$0x3F95]  }
0x1a: {  	s8 =	sadd.s32 $0xFFFFE003, lr  }
0x1b: {  	s9 =	sadd.s32 $0xFFFFFEF7, lr;
	s5 =	simm.s32 $0xFFFFFFFF;
	p2 =	slt.u32 s8, $0xFFFFF086  }
0x1c: {  	p1 =	slt.u32 s9, $0xF7A;
	s5 =	simm.s32 @!p2 $0x0  }
0x1d: {  	s5 =	simm.s32 @p1 $0x1;
	p0 =	seq.s32 s7, s2  }
0x1e: {  	s7 =	smul.u32 @!p0 $0xF7A, s2;
	p2 =	seq.s32 @!p0 s5, $0x0  }
0x1f: {  	s9 =	smul.u32 $0xF7A, s1;
	s8 =	simm.s32 @!p0 $0x1BF5;
	p2 =	por !p2, p0  }
0x20: {  	[sflag:s8] =	ssyncset.s32 @!p0 $0xFFFFF086;
	s6 =	sadd.s32 @!p0 s3, s7;
	s7 =	simm.s32 @!p0 $0x108  }
0x21: {  	s3 =	sadd.s32 s3, s9;
	s6 =	sadd.s32 @!p0 $0x88, s6;
	s7 =	simm.s32 @p2 $0x1082  }
0x22: {  	[simem:s7], [sflag:s8] =	dma.local @!p0 [hbm:s6], $0xF7A  }
0x23: {  	s9 =	sor.u32 $0xD0000000, s2;
	s6 =	simm.s32 $0x108;
	_ =	swait.ge @!p0 [sflag:s8], $0x0  }
0x24: {  	s3 =	sadd.s32 $0x88, s3;
	s6 =	simm.s32 @!p1 $0x1082;
	[sflag:s4] =	ssyncset.s32 $0xFFFFF086  }
0x25: {  	[simem:s6], [sflag:s4] =	dma.local [hbm:s3], $0xF7A  }
0x26: {  	[smem:$0x3F95] =	sst s1;
	(tag) =	ssettag s2;
	_ =	strace s9  }
0x27: {  	s1 =	sld [smem:$0x3FA5]  }
0x28: {  	s2 =	sld [smem:$0x3FA6]  }
0x29: {  	s4 =	sld [smem:$0x3FA8]  }
0x2a: {  	p0 =	seq.s32 s5, $0x0;
	s5 =	sld [smem:$0x3FA9]  }
0x2b: {  	s6 =	sld [smem:$0x3FAA]  }
0x2c: {  	s7 =	sld [smem:$0x3FAB]  }
0x2d: {  	s3 =	simm.s32 $0x108;
	s8 =	sld [smem:$0x3FAC]  }
0x2e: {  	s3 =	simm.s32 @!p0 $0x1082;
	s9 =	sld [smem:$0x3FAD]  }
0x2f: {  	lr =	sadd.s32 s0, s3;
	s0 =	sld [smem:$0x3FA4]  }
0x30: {  	s3 =	sld [smem:$0x3FA7]  }
0x31: {  	[smem:$0x3FB0] =	sst s10  }
0x32: {  	s10 =	sld [smem:$0x3FAE];
	_ =	sdelay $0x3  }
0x33: {  	p0 =	seq.s32 s10, $0x1;
	s10 =	sld [smem:$0x3FB0];
	_ =	sdelay $0x3  }
0x34: {  	[smem:$0x3FB0] =	sst s10  }
0x35: {  	s10 =	sld [smem:$0x3FAF];
	_ =	sdelay $0x3  }
0x36: {  	p1 =	seq.s32 s10, $0x1;
	s10 =	sld [smem:$0x3FB0];
	_ =	sdelay $0x3  }
0x37: {  	[smem:$0x3FB0] =	sst s10  }
0x38: {  	s10 =	sld [smem:$0x3FB1]  }
0x39: {  	_ = 	snop;
	(pc) =	sbr.ind lr, $3  }
0x3a: {  	_ = 	snop  }
0x3b: {  	_ = 	snop  }
0x3c: {  	p2 =	seq.s32 s10, $0x1;
	s10 =	sld [smem:$0x3FB0]  }
0x3d: {  	_ =	shalt  }
0x3e: {  	_ =	shalt  }
0x3f: {  	_ =	shalt  }
0x40: {  	_ =	shalt  }
0x41: {  	_ =	shalt  }
0x42: {  	_ =	shalt  }
0x43: {  	_ =	shalt  }
0x44: {  	_ =	shalt  }
0x45: {  	_ =	shalt  }
0x46: {  	_ =	shalt  }
0x47: {  	_ =	shalt  }
0x48: {  	_ =	shalt  }
0x49: {  	_ =	shalt  }
0x4a: {  	_ =	shalt  }
0x4b: {  	_ =	shalt  }
0x4c: {  	_ =	shalt  }
0x4d: {  	_ =	shalt  }
0x4e: {  	_ =	shalt  }
0x4f: {  	_ =	shalt  }
0x50: {  	_ =	shalt  }
0x51: {  	_ =	shalt  }
0x52: {  	_ =	shalt  }
0x53: {  	_ =	shalt  }
0x54: {  	_ =	shalt  }
0x55: {  	_ =	shalt  }
0x56: {  	_ =	shalt  }
0x57: {  	_ =	shalt  }
0x58: {  	_ =	shalt  }
0x59: {  	_ =	shalt  }
0x5a: {  	_ =	shalt  }
0x5b: {  	_ =	shalt  }
0x5c: {  	_ =	shalt  }
0x5d: {  	_ =	shalt  }
0x5e: {  	_ =	shalt  }
0x5f: {  	_ =	shalt  }
0x60: {  	_ =	shalt  }
0x61: {  	_ =	shalt  }
0x62: {  	_ =	shalt  }
0x63: {  	_ =	shalt  }
0x64: {  	_ =	shalt  }
0x65: {  	_ =	shalt  }
0x66: {  	_ =	shalt  }
0x67: {  	_ =	shalt  }
0x68: {  	_ =	shalt  }
0x69: {  	_ =	shalt  }
0x6a: {  	_ =	shalt  }
0x6b: {  	_ =	shalt  }
0x6c: {  	_ =	shalt  }
0x6d: {  	_ =	shalt  }
0x6e: {  	_ =	shalt  }
0x6f: {  	_ =	shalt  }
0x70: {  	_ =	shalt  }
0x71: {  	_ =	shalt  }
0x72: {  	_ =	shalt  }
0x73: {  	_ =	shalt  }
0x74: {  	_ =	shalt  }
0x75: {  	_ =	shalt  }
0x76: {  	_ =	shalt  }
0x77: {  	_ =	shalt  }
0x78: {  	_ =	shalt  }
0x79: {  	_ =	shalt  }
0x7a: {  	_ =	shalt  }
0x7b: {  	_ =	shalt  }
0x7c: {  	_ =	shalt  }
0x7d: {  	_ =	shalt  }
0x7e: {  	_ =	shalt  }
0x7f: {  	_ =	shalt  }
0x80: {  	_ =	shalt  }
0x81: {  	_ =	shalt  }
0x82: {  	_ =	shalt  }
0x83: {  	_ =	shalt  }
0x84: {  	_ =	shalt  }
0x85: {  	_ =	shalt  }
0x86: {  	_ =	shalt  }
0x87: {  	_ =	shalt  }
.Lfunc_end0:
.L_simem_size_0:
called_computation_lowered:
.L_overlay_start_0:
0x88: {  	s2 =	sld [smem:$0x3FD9]  }
0x89: {  	s3 =	sld [smem:$0x3FFE];
	_ =	sdelay $0x1  }
0x8a: {  	s1 =	srdreg.scid  }
0x8b: {  	s0 =	sand.u32 $0x1, s1  }
0x8c: {  	s17 =	sshll.u32 s0, $0xA;
	s2 =	sadd.s32 s3, s2  }
0x8d: {  	s2 =	sadd.s32 s2, s17  }
0x8e: {  	[smem:$0x3FBC] =	sst s2  }
0x8f: {  	_ = 	snop  }
0x90: {  	s2 =	sld [smem:$0x3FC9]  }
0x91: {  	s18 =	sld [smem:$0x3FC8]  }
0x92: {  	s4 =	sld [smem:$0x3FC7]  }
0x93: {  	s5 =	sld [smem:$0x3FC6]  }
0x94: {  	s6 =	sld [smem:$0x3FC5]  }
0x95: {  	s7 =	sld [smem:$0x3FC4]  }
0x96: {  	s8 =	sld [smem:$0x3FD0];
	(tm) =	ssettm $0x1  }
0x97: {  	s9 =	sld [smem:$0x3FFB];
	_ =	sdelay $0x3  }
0x98: {  	_ =	strace s9  }
0x99: {  	s9 =	sld [smem:$0x3FFC];
	_ =	sdelay $0x3  }
0x9a: {  	_ =	strace s9  }
0x9b: {  	s9 =	sld [smem:$0x3FFD];
	_ =	sdelay $0x3  }
0x9c: {  	_ =	strace s9  }
0x9d: {  	_ =	strace $0x8FFFFFFF  }
0x9e: {  	s19 =	sld [smem:$0x3FDB];
	_ =	sdelay $0x1  }
0x9f: {  	s10 =	simm.s32 $_scs_section_size  }
0xa0: {  	s11 =	simm.s32 $_size__tile_overlayer_lowered;
	s12 =	simm.s32 $_tile_overlayer_lowered  }
0xa1: {  	s22 =	simm.s32 $0x1BFF;
	s21 =	sshll.u32 s12, $0x1;
	s9 =	sadd.s32 s10, s19  }
0xa2: {  	s13 =	simm.s32 $0x0;
	s20 =	sshll.u32 s11, $0x1;
	s11 =	sadd.s32 s21, s9  }
0xa3: {  	[timem:s13], [sflag:s22] =	dma.local [hbm:s11], s20  }
0xa4: {  	_ =	swait.ge [sflag:s22], s20  }
0xa5: {  	s10 =	ssub.s32 $0x0, s20;
	[sflag:s22] =	ssyncset.done $0x0  }
0xa6: {  	[sflag:s22] =	ssyncadd.s32 s10;
	_ =	sdelay $0x1  }
0xa7: {  	s23 =	simm.s32 $0x1B8B  }
0xa8: {  	_ =	swait.ge [sflag:s23], $0x1  }
0xa9: {  	[sflag:s23] =	ssyncset.done $0x0  }
0xaa: {  	s25 =	simm.s32 $0x1B8E;
	s24 =	sld [smem:$0x3FFE];
	[sflag:s23] =	ssyncadd.s32 $0xFFFFFFFF  }
0xab: {  	s26 =	simm.s32 $execute0_lowered;
	[smem:$0x3FD2] =	sst s25  }
0xac: {  	s11 =	sshll.u32 s26, $0x1;
	_ =	strace $0x80000046;
	[dreg:$0x1] =	wrdreg $0xFFFFFFFF  }
0xad: {  	s28 =	simm.s32 $_size_execute0_lowered;
	s9 =	sadd.s32 s9, s11;
	[dreg:$0x0] =	wrdreg $0x0  }
0xae: {  	s11 =	sshll.u32 s28, $0x1;
	[dreg:$0x2] =	wrdreg s9  }
0xaf: {  	[dreg:$0x3] =	wrdreg s11  }
0xb0: {  	[dreg:$0x4] =	wrdreg $0xC0  }
0xb1: {  	_ =	task [dreg:s13], $0x5FFFF  }
0xb2: {  	[dreg:$0x1] =	wrdreg $0xFFFFFFFF  }
0xb3: {  	[dreg:$0x0] =	wrdreg $0x60  }
0xb4: {  	[dreg:$0x2] =	wrdreg s2  }
0xb5: {  	[dreg:$0x3] =	wrdreg s5  }
0xb6: {  	[dreg:$0x4] =	wrdreg s4  }
0xb7: {  	[dreg:$0x5] =	wrdreg s7  }
0xb8: {  	[dreg:$0x6] =	wrdreg s18  }
0xb9: {  	[dreg:$0x7] =	wrdreg s6  }
0xba: {  	[dreg:$0x8] =	wrdreg s8  }
0xbb: {  	[dreg:$0x9] =	wrdreg s24  }
0xbc: {  	[dreg:$0xa] =	wrdreg $0x9  }
0xbd: {  	_ =	task.clear_ibuf [dreg:s13], $0xBFFFF;
	_ =	strace $0x90000046  }
0xbe: {  	s29 =	simm.s32 $0x9;
	_ =	strace $0x80000048  }
0xbf: {  	_ =	swait.ge [sflag:s29], $0x1  }
0xc0: {  	[sflag:s29] =	ssyncadd.s32 $0xFFFFFFFF  }
0xc1: {  	_ =	strace $0x90000048  }
0xc2: {  	_ =	sfence  }
0xc3: {  	s30 =	sld [smem:$0x0];
	_ =	sdelay $0x2  }
0xc4: {  	s31 =	sshll.u32 s1, $0xD;
	s1 =	sshrl.u32 s1, $0x2  }
0xc5: {  	s3 =	sand.u32 $0x4000, s31;
	s1 =	sadd.s32 s1, s30  }
0xc6: {  	s0 =	sor.u32 s3, s0;
	s1 =	sshll.u32 s1, $0x11  }
0xc7: {  	s0 =	sor.u32 s1, s0  }
0xc8: {  	s0 =	sadd.s32 $0x8F2B, s0  }
0xc9: {  	[sflag:s0] =	ssyncadd.remote.s32 $0x1  }
0xca: {  	_ =	sfence.sel $0xFFFF  }
0xcb: {  	[dreg:$0x0] =	wrdreg $0xFFFFFFFF;
	(pc) =	sbr.abs _section_cstart, $3  }
0xcc: {  	[dreg:$0x1] =	wrdreg $0xFFFFFFFF  }
0xcd: {  	_ =	task.clear_ibuf [dreg:s13], $0x2FFFF;
	_ =	strace $0x9FFFFFFF  }
0xce: {  	(tm) =	ssettm $0x7FFFFFFF  }
0xcf: {  	_ =	shalt  }
tec
execute0_lowered:
.L_overlay_start_1:
0x0: {  	(tag) =	ssettag $0x1  }
0x1: {  	s12 =	rddreg [dreg:$0x0]  }
0x2: {  	s7 =	rddreg [dreg:$0x1]  }
0x3: {  	s1 =	rddreg [dreg:$0x2]  }
0x4: {  	s2 =	rddreg [dreg:$0x3];
	s5 =	stileid.u32  }
0x5: {  	s3 =	rddreg [dreg:$0x4];
	p0 =	sgt.u32 s5, $0x7  }
.Ltmp0:
0x6: {  	s4 =	rddreg [dreg:$0x5];
	(pc) =	sbr.rel @p0 .LBB2_7-.Ltmp0, $4  }
0x7: {  	s10 =	rddreg [dreg:$0x6]  }
0x8: {  	s8 =	rddreg [dreg:$0x7];
	s6 =	simm.s32 $0x0  }
0x9: {  	[smem:$0x7FF] =	sst s6  }
0xa: {  	s0 =	rddreg [dreg:$0x8];
	_ =	strace $0x80000047  }
0xb: {  	s9 =	srdreg.scid;
	s11 =	sshll.u32 s5, $0x1;
	s28 =	sshrl.u32 s5, $0x2  }
0xc: {  	s18 =	simm.s32 $0x1000;
	s19 =	simm.s32 $0x1080;
	s9 =	sand.u32 $0x1, s9  }
0xd: {  	s20 =	simm.s32 $0x1100;
	s21 =	simm.s32 $0x1180;
	s17 =	sor.u32 s9, s11  }
0xe: {  	s22 =	simm.s32 $0x0;
	s30 =	ssub.s32 $0x2, s9;
	s13 =	sshll.u32 s17, $0x7  }
0xf: {  	s14 =	sshll.u32 s28, $0xA;
	s16 =	sshrl.u32 s30, $0x1;
	s13 =	sand.u32 $0x380, s13  }
0x10: {  	s11 =	sshll.u32 s28, $0xE;
	s31 =	ssub.s32 s30, s16;
	s14 =	sor.u32 s14, s13  }
0x11: {  	s16 =	simm.s32 $0x1;
	s11 =	sor.u32 s11, s13;
	s14 =	sshrl.u32 s14, $0x3  }
0x12: {  	s13 =	smax.u32 s31, $0x1;
	s15 =	sshrl.u32 s11, $0x3;
	s29 =	sadd.s32 s14, s8  }
0x13: {  	s7 =	sadd.s32 s7, s15;
	s8 =	sshll.u32 s17, $0x12;
	s10 =	sadd.s32 s10, s14  }
0x14: {  	v0 =	vlaneseq.u32;
	v1 =	vmov s17;
	s12 =	sadd.s32 s12, s15;
	s14 =	simm.s32 $0x80;
	s15 =	simm.s32 $0x400  }
0x15: {  	vm0 =	veq.s32 v1, v0;
	v1 =	vor.u32 $0x800, v0;
	s17 =	simm.s32 $0x800;
	s9 =	sadd.s32 $0xFFFC0000, s8;
	s11 =	sadd.s32 $0x1800, s29  }
.LBB2_2:
0x16: {  	s23 =	simm.s32 $0x0  }
0x17: {  	[tilespmem:s23], [sflag:$0x1] =	stream.strided.gather [hbm4b:s12+s14], $0x800, s15, s14, $0x38;
	[tilespmem:$0x1200] =	vst v63  }
0x18: {  	_ =	swait.ge [sflag:s16], $0x800  }
0x19: {  	[sflag:s16] =	ssyncset.done $0x0  }
0x1a: {  	[sflag:s16] =	ssyncadd.s32 $0xFFFFF800  }
0x1b: {  	[tilespmem:s17], [sflag:$0x1] =	stream.strided.gather [hbm4b:s7+s14], $0x800, s15, s14, $0x38;
	[tilespmem:$0x1200] =	vst v63  }
0x1c: {  	_ =	swait.ge [sflag:s16], $0x800  }
0x1d: {  	[sflag:s16] =	ssyncset.done $0x0  }
0x1e: {  	[sflag:s16] =	ssyncadd.s32 $0xFFFFF800  }
0x1f: {  	[tilespmem:s18], [sflag:$0x1] =	stream.linear.gather [hbm4b:s1+s23], $0x80, $0x38;
	[tilespmem:$0x1200] =	vst v63  }
0x20: {  	_ =	swait.ge [sflag:s16], $0x80  }
0x21: {  	[sflag:s16] =	ssyncset.done $0x0  }
0x22: {  	[sflag:s16] =	ssyncadd.s32 $0xFFFFFF80  }
0x23: {  	[tilespmem:s19], [sflag:$0x1] =	stream.linear.gather [hbm4b:s2+s23], $0x80, $0x38;
	[tilespmem:$0x1200] =	vst v63  }
0x24: {  	_ =	swait.ge [sflag:s16], $0x80  }
0x25: {  	[sflag:s16] =	ssyncset.done $0x0  }
0x26: {  	[sflag:s16] =	ssyncadd.s32 $0xFFFFFF80  }
0x27: {  	v2 =	vld [tilespmem:$0x1000];
	_ =	sdelay $0x4  }
0x28: {  	v2 =	vxor.u32 $0x80000000, v2  }
0x29: {  	v2 =	vnsel vm0, $0x80000000, v2  }
0x2a: {  	(xrf0) =	vmax.scan.msk.u32 $0xffff, v2;
	_ =	sdelay $0x5  }
0x2b: {  	v2, _, _ =	vpop (xrf0)  }
0x2c: {  	(v2sf) =	vpush v2, $0xF;
	_ =	sdelay $0xd  }
0x2d: {  	v7 =	vld [tilespmem:s23+$0x0]  }
0x2e: {  	s24 =	spop (v2sf)  }
0x2f: {  	s24 =	sxor.u32 $0x80000000, s24  }
0x30: {  	v6 =	vor.u32 s23, v0;
	v3 =	vmov s24  }
0x31: {  	vm1 =	vlt.s32 v6, v3  }
0x32: {  	v5 =	vimm.s32 $0x0;
	v4 =	vld [tilespmem:$0x1080];
	s23 =	simm.s32 $0x10;
	v2 =	vimm.f32 $-1.000000000e+00;
	s24 =	simm.s32 $0x10;
	v7 =	vnsel vm1, $0xBF800000, v7  }
.LBB2_3:
0x33: {  	v8 =	vld [tilespmem:s24+$0x0];
	p0 =	seq.s32 s23, $0x7F0;
	vm1 =	vge.f32 v7, v2;
	s25 =	smov.u32 s23;
	s23 =	sadd.s32 $0x10, s23  }
.Ltmp1:
0x34: {  	v2 =	vsel vm1, v7, v2;
	v5 =	vsel vm1, v6, v5;
	(pc) =	sbr.rel @!p0 .LBB2_3-.Ltmp1, $4  }
0x35: {  	_ = 	snop  }
0x36: {  	v6 =	vor.u32 s25, v0  }
0x37: {  	vm1 =	vlt.s32 v6, v3  }
0x38: {  	s24 =	sadd.s32 $0x10, s24;
	v7 =	vnsel vm1, $0xBF800000, v8  }
0x39: {  	v4 =	vxor.u32 $0x80000000, v4  }
0x3a: {  	v4 =	vnsel vm0, $0x80000000, v4  }
0x3b: {  	(xrf0) =	vmax.scan.msk.u32 $0xffff, v4;
	_ =	sdelay $0x5  }
0x3c: {  	v4, _, _ =	vpop (xrf0)  }
0x3d: {  	(v2sf) =	vpush v4, $0xF;
	_ =	sdelay $0xd  }
0x3e: {  	vm1 =	vge.f32 v7, v2;
	s24 =	simm.s32 $0x800  }
0x3f: {  	v3 =	vsel vm1, v7, v2;
	v2 =	vsel vm1, v6, v5;
	v5 =	vld [tilespmem:s24+$0x0];
	s23 =	spop (v2sf)  }
0x40: {  	s23 =	sxor.u32 $0x80000000, s23  }
0x41: {  	v4 =	vmov s23;
	s23 =	simm.s32 $0x0  }
0x42: {  	v6 =	vor.u32 s23, v0  }
0x43: {  	vm1 =	vlt.s32 v6, v4  }
0x44: {  	s25 =	simm.s32 $0x810;
	s24 =	simm.s32 $0x10;
	v5 =	vnsel vm1, $0xBF800000, v5  }
.LBB2_5:
0x45: {  	v6 =	vld [tilespmem:s25+$0x0];
	p0 =	sne.s32 s24, $0x7F0;
	vm1 =	vge.f32 v5, v3;
	v7 =	vor.u32 s23, v1;
	s23 =	smov.u32 s24;
	s24 =	sadd.s32 $0x10, s24  }
.Ltmp2:
0x46: {  	v3 =	vsel vm1, v5, v3;
	v2 =	vsel vm1, v7, v2;
	(pc) =	sbr.rel @p0 .LBB2_5-.Ltmp2, $4  }
0x47: {  	_ = 	snop  }
0x48: {  	v5 =	vor.u32 s23, v0  }
0x49: {  	vm1 =	vlt.s32 v5, v4  }
0x4a: {  	s25 =	sadd.s32 $0x10, s25;
	v5 =	vnsel vm1, $0xBF800000, v6  }
0x4b: {  	vm1 =	vge.f32 v5, v3  }
0x4c: {  	v3 =	vsel vm1, v5, v3  }
0x4d: {  	(xrf0) =	vmax.scan.msk.f32 $0xffff, v3;
	_ =	sdelay $0x5  }
0x4e: {  	v4, _, _ =	vpop (xrf0)  }
0x4f: {  	v63 =	vor.u32 s23, v1;
	v4 =	vbroadcast v4, $0xF  }
0x50: {  	v2 =	vsel vm1, v63, v2  }
0x51: {  	v2 =	vxor.u32 $0x80000000, v2;
	vm1 =	veq.f32 v3, v4  }
0x52: {  	v2 =	vnsel vm1, $0x7FFFFFFF, v2  }
0x53: {  	(xrf0) =	vmax.scan.msk.u32 $0xffff, v2;
	_ =	sdelay $0x5  }
0x54: {  	v2, _, _ =	vpop (xrf0)  }
0x55: {  	(v2sf) =	vpush v2, $0xF;
	_ =	sdelay $0xe  }
0x56: {  	s31 =	spop (v2sf)  }
0x57: {  	s24 =	smov.u32 s8;
	p0 =	sgt.u32 s31, $0x800007FF;
	s23 =	sshll.u32 s31, $0x7  }
0x58: {  	s25 =	sand.u32 $0xFFFFFC00, s23;
	s24 =	smov.u32 @p0 s9  }
0x59: {  	s23 =	sand.u32 $0x380, s23;
	s24 =	sadd.s32 s25, s24  }
0x5a: {  	s25 =	smov.u32 s3;
	s23 =	sor.u32 s23, s24  }
0x5b: {  	s25 =	smov.u32 @p0 s4;
	s23 =	sshrl.u32 s23, $0x3  }
0x5c: {  	s23 =	sadd.s32 s25, s23  }
0x5d: {  	[tilespmem:s20], [sflag:$0x1] =	stream.linear.gather [hbm4b:s23+s6], $0x80, $0x38;
	[tilespmem:$0x1200] =	vst v63  }
0x5e: {  	s23 =	simm.f32 $1.000000000e+00;
	_ =	swait.ge [sflag:s16], $0x80  }
0x5f: {  	s23 =	simm.s32 @!p0 $0x0;
	[sflag:s16] =	ssyncset.done $0x0  }
0x60: {  	v2 =	vmov s23;
	[sflag:s16] =	ssyncadd.s32 $0xFFFFFF80  }
0x61: {  	[tilespmem:$0x1180] =	vst v2  }
0x62: {  	[tilespmem:$0x1190] =	vst v2  }
0x63: {  	[tilespmem:$0x11A0] =	vst v2  }
0x64: {  	[tilespmem:$0x11B0] =	vst v2  }
0x65: {  	[tilespmem:$0x11C0] =	vst v2  }
0x66: {  	[tilespmem:$0x11D0] =	vst v2  }
0x67: {  	[tilespmem:$0x11E0] =	vst v2  }
0x68: {  	[tilespmem:$0x11F0] =	vst v2  }
0x69: {  	[hbm4b:s10+s6] =	stream.linear.scatter [tilespmem:s20], [sflag:$0x1], $0x80, $0x38;
	[tilespmem:$0x1200] =	vst v63  }
0x6a: {  	s22 =	sadd.s32 $0x1, s22;
	_ =	swait.ge [sflag:s16], $0x80  }
0x6b: {  	p0 =	sne.s32 s22, s13;
	[sflag:s16] =	ssyncset.done $0x0  }
.Ltmp3:
0x6c: {  	[sflag:s16] =	ssyncadd.s32 $0xFFFFFF80;
	(pc) =	sbr.rel @p0 .LBB2_2-.Ltmp3, $4  }
0x6d: {  	[hbm4b:s11+s6] =	stream.linear.scatter [tilespmem:s21], [sflag:$0x1], $0x80, $0x38;
	[tilespmem:$0x1200] =	vst v63  }
0x6e: {  	_ =	swait.ge [sflag:s16], $0x80  }
0x6f: {  	[sflag:s16] =	ssyncset.done $0x0  }
0x70: {  	[sflag:s16] =	ssyncadd.s32 $0xFFFFFF80  }
.LBB2_7:
0x71: {  	_ =	sfence.sel $0x180000  }
0x72: {  	[bflag:$0x0] =	sbarrier.arrive $0xFFFF  }
0x73: {  	p0 =	sne.s32 s5, $0x0;
	_ =	strace $0x90000047  }
0x74: {  	s0 =	sadd.s32 @!p0 $0x100000, s0;
	[bflag:$0x2] =	sbarrier.arrive $0xFFFF  }
0x75: {  	[sflag:s0] =	ssyncadd.tile.s32 @!p0 $0x1;
	_ =	shalt  }
.Lfunc_end2:
_tile_overlayer_lowered:
.L_overlay_start_2:
0x76: {  	(tag) =	ssettag $0x2  }
0x77: {  	s0 =	rddreg [dreg:$0x0];
	s2 =	stileid.u32  }
0x78: {  	s1 =	rddreg [dreg:$0x1];
	p0 =	sne.s32 s2, $0x0  }
0x79: {  	s3 =	rddreg [dreg:$0x2];
	[bflag:$0x3] =	sbarrier.arrive $0xFFFF;
	s2 =	simm.s32 @!p0 $0x1C01  }
0x7a: {  	[timem:s3], [sflag:s2] =	dma.local @!p0 [hbm:s0], s1  }
0x7b: {  	s0 =	simm.s32 @!p0 $0x1  }
0x7c: {  	_ =	swait.ge @!p0 [sflag:s0], s1  }
0x7d: {  	s1 =	ssub.s32 @!p0 $0x0, s1;
	[sflag:s0] =	ssyncset.done @!p0 $0x0  }
0x7e: {  	[sflag:s0] =	ssyncadd.s32 @!p0 s1  }
0x7f: {  	[bflag:$0x3] =	sbarrier.arrive $0xFFFF  }
0x80: {  	_ =	shalt  }

</sc_bundles>
